<compile_context>
chip_gen: v7x
topology: tpu7x:2x2x1
jax: 0.10.2.dev20260603
libtpu: 0.0.44.dev20260713+nightly
codegen_flags: <defaults>
</compile_context>

<pallas_src>
import jax
import jax.numpy as jnp
from jax.experimental import pallas as pl

L = 50000
NAA = 20
NP = 5
NT = 12
NCH = 3 + NT + 2
WCH = NP * NCH

BLK = 1000


def _body(seq1_ref, bb1_ref, seq2_ref, bb2_ref, wall_ref, out_ref):
    c = pl.program_id(0)
    s = jnp.where(c == 0, seq1_ref[...], seq2_ref[...])
    bb = jnp.where(c == 0, bb1_ref[...], bb2_ref[...])

    m = jnp.dot(s, wall_ref[...], preferred_element_type=jnp.float32)

    eps = 1e-8
    n_at = bb[:, 0:3]
    ca = bb[:, 3:6]
    c_at = bb[:, 6:9]
    v1 = c_at - ca
    v2 = n_at - ca
    n1 = jnp.sqrt(jnp.sum(v1 * v1, axis=1, keepdims=True))
    e1 = v1 / (n1 + eps)
    d12 = jnp.sum(e1 * v2, axis=1, keepdims=True)
    u2 = v2 - e1 * d12
    n2 = jnp.sqrt(jnp.sum(u2 * u2, axis=1, keepdims=True))
    e2 = u2 / (n2 + eps)
    e3 = jnp.concatenate([
        e1[:, 1:2] * e2[:, 2:3] - e1[:, 2:3] * e2[:, 1:2],
        e1[:, 2:3] * e2[:, 0:1] - e1[:, 0:1] * e2[:, 2:3],
        e1[:, 0:1] * e2[:, 1:2] - e1[:, 1:2] * e2[:, 0:1],
    ], axis=1)

    cols = []
    for p in range(NP):
        b = p * NCH
        denom = m[:, b + 16:b + 17]
        inv = 1.0 / denom
        xyz = m[:, b:b + 3] * inv
        rot = xyz[:, 0:1] * e1 + xyz[:, 1:2] * e2 + xyz[:, 2:3] * e3 + ca
        rest = m[:, b + 3:b + 16] * inv
        cols.append(rot)
        cols.append(rest)
        cols.append(denom)
    out_ref[...] = jnp.concatenate(cols, axis=1)


@jax.jit
def kernel(sequence_p1, bb_xyz_p1, sequence_p2, bb_xyz_p2,
           map_coords, map_types, map_weights, map_radii):
    cw = (map_coords * map_weights)[0]
    tw = (map_types * map_weights)[0]
    rw = map_radii[0] * map_weights[0]
    w = map_weights[0]
    wall = jnp.concatenate([cw, tw, rw, w], axis=-1).reshape(NAA, WCH)

    bb1 = bb_xyz_p1.reshape(L, 9)
    bb2 = bb_xyz_p2.reshape(L, 9)

    nb = L // BLK
    out = pl.pallas_call(
        _body,
        grid=(2, nb),
        in_specs=[
            pl.BlockSpec((BLK, NAA), lambda c, i: (i, 0)),
            pl.BlockSpec((BLK, 9), lambda c, i: (i, 0)),
            pl.BlockSpec((BLK, NAA), lambda c, i: (i, 0)),
            pl.BlockSpec((BLK, 9), lambda c, i: (i, 0)),
            pl.BlockSpec((NAA, WCH), lambda c, i: (0, 0)),
        ],
        out_specs=pl.BlockSpec((BLK, WCH), lambda c, i: (c * nb + i, 0)),
        out_shape=jax.ShapeDtypeStruct((2 * L, WCH), jnp.float32),
    )(sequence_p1, bb1, sequence_p2, bb2, wall)
    return out.reshape(2 * L * NP, NCH)

# --- scband reference (transcript-rebuilt; emitter-appended) ---
"""Pipeline reference for scband-bb2-martini-module-53334903882037 (READ-ONLY COPY).

The authoritative reference and input builder live on the scoring server;
editing this copy changes nothing except your own understanding.
"""

import jax, jax.numpy as jnp
import numpy as np

L = 50000
NAA = 20
NP = 5
NT = 12


def setup_inputs(seed: int = 0) -> dict:
    key = jax.random.key(seed)
    ks = jax.random.split(key, 8)
    seq1 = jax.random.uniform(ks[0], (L, NAA), dtype=jnp.float32)
    bb1 = jax.random.normal(ks[1], (L, 3, 3), dtype=jnp.float32)
    seq2 = jax.random.uniform(ks[2], (L, NAA), dtype=jnp.float32)
    bb2 = jax.random.normal(ks[3], (L, 3, 3), dtype=jnp.float32)
    # non-trainable buffers built in __init__ from martinize(); synthesized here with matching shapes
    map_coords = jax.random.normal(ks[4], (1, NAA, NP, 3), dtype=jnp.float32)
    tids = jax.random.randint(ks[5], (NAA, NP), 0, NT)
    map_types = jax.nn.one_hot(tids, NT, dtype=jnp.float32)[None, :, :, :]
    map_weights = jax.random.uniform(ks[6], (1, NAA, NP, 1), dtype=jnp.float32) * 67.0 + 5.0
    map_radii = jax.random.uniform(ks[7], (1, NAA, NP, 1), dtype=jnp.float32) * 1.5 + 3.2
    return {
        "sequence_p1": seq1, "bb_xyz_p1": bb1,
        "sequence_p2": seq2, "bb_xyz_p2": bb2,
        "map_coords": map_coords, "map_types": map_types,
        "map_weights": map_weights, "map_radii": map_radii,
    }


def _rigid_from_3_points(N, Ca, C, eps=1e-8):
    v1 = C - Ca
    v2 = N - Ca
    e1 = v1 / (jnp.linalg.norm(v1, axis=-1, keepdims=True) + eps)
    u2 = v2 - e1 * jnp.sum(e1 * v2, axis=-1, keepdims=True)
    e2 = u2 / (jnp.linalg.norm(u2, axis=-1, keepdims=True) + eps)
    e3 = jnp.cross(e1, e2)
    R = jnp.stack([e1, e2, e3], axis=-1)
    return R, Ca


def _chain(seq, bb, map_coords, map_types, map_weights, map_radii):
    # seq: [L, NAA] one-hot-like residue weights; segment-reduce over the NAA axis
    s = seq[:, :, None, None]                                   # [L, NAA, 1, 1]
    denom = (s * map_weights).sum(axis=1)                       # [L, NP, 1]
    xyz = (s * map_coords * map_weights).sum(axis=1) / denom    # [L, NP, 3]
    types = (s * map_types * map_weights).sum(axis=1) / denom   # [L, NP, NT]
    radii = (s * map_radii * map_weights).sum(axis=1) / denom   # [L, NP, 1]
    weights = denom                                             # [L, NP, 1]
    Rs, Ts = _rigid_from_3_points(bb[None, :, 0, :], bb[None, :, 1, :], bb[None, :, 2, :])
    # Rs: [1, L, 3, 3], Ts: [1, L, 3]; torch einsum 'lpij,lpj->lpi' with broadcast over pseudoatoms
    rot = jnp.einsum('lij,plj->pli', Rs[0], jnp.transpose(xyz, (1, 0, 2))) + Ts[0][None, :, :]  # [NP, L, 3]
    xyz_out = jnp.transpose(rot, (1, 0, 2)).reshape((-1, 3))    # [L*NP, 3]
    types_out = types.reshape((-1, NT))                         # [L*NP, NT]
    radii_out = radii.reshape((-1,))                            # [L*NP]
    weights_out = weights.reshape((-1,))                        # [L*NP]
    return jnp.concatenate([xyz_out, types_out, radii_out[:, None], weights_out[:, None]], axis=1)


def reference(sequence_p1, bb_xyz_p1, sequence_p2, bb_xyz_p2, map_coords, map_types, map_weights, map_radii):
    o1 = _chain(sequence_p1, bb_xyz_p1, map_coords, map_types, map_weights, map_radii)
    o2 = _chain(sequence_p2, bb_xyz_p2, map_coords, map_types, map_weights, map_radii)
    return jnp.concatenate([o1, o2], axis=0)  # [2*L*NP, 3+NT+2]

if __name__ == "__main__":
    import jax
    _d = setup_inputs()
    print(jax.jit(kernel)(*tuple(_d.values())))

</pallas_src>

<mosaic_0001>
module attributes {stable_mosaic.version = 14 : i64} {
  func.func @_body(%arg0: i32, %arg1: i32, %arg2: memref<1000x20xf32, #tpu.memory_space<vmem>>, %arg3: memref<1000x9xf32, #tpu.memory_space<vmem>>, %arg4: memref<1000x20xf32, #tpu.memory_space<vmem>>, %arg5: memref<1000x9xf32, #tpu.memory_space<vmem>>, %arg6: memref<20x85xf32, #tpu.memory_space<vmem>>, %arg7: memref<1000x85xf32, #tpu.memory_space<vmem>>) attributes {dimension_semantics = [#tpu.dimension_semantics<arbitrary>, #tpu.dimension_semantics<arbitrary>], iteration_bounds = array<i64: 2, 50>, scalar_prefetch = 0 : i64, scratch_operands = 0 : i64, tpu.core_type = #tpu.core_type<tc>, window_params = [{transform_indices = @transform_0, window_bounds = array<i64: 1000, 20>}, {transform_indices = @transform_1, window_bounds = array<i64: 1000, 9>}, {transform_indices = @transform_2, window_bounds = array<i64: 1000, 20>}, {transform_indices = @transform_3, window_bounds = array<i64: 1000, 9>}, {pipeline_mode = #tpu.pipeline_mode<synchronous>, transform_indices = @transform_4, window_bounds = array<i64: 20, 85>}, {transform_indices = @transform_5, window_bounds = array<i64: 1000, 85>}]} {
    %eq3A = arith.constant 0 : i32
    %eq3A_0 = arith.cmpi eq, %arg0, %eq3A : i32
    %get3A = arith.constant 0 : index
    %get3A_1 = arith.constant 0 : index
    %get3A_2 = vector.load %arg2[%get3A, %get3A_1] : memref<1000x20xf32, #tpu.memory_space<vmem>>, vector<1000x20xf32>
    %get3A_3 = arith.constant 0 : index
    %get3A_4 = arith.constant 0 : index
    %get3A_5 = vector.load %arg4[%get3A_3, %get3A_4] : memref<1000x20xf32, #tpu.memory_space<vmem>>, vector<1000x20xf32>
    %select_n3A = arith.select %eq3A_0, %get3A_2, %get3A_5 : vector<1000x20xf32>
    %eq3A_6 = arith.constant 0 : i32
    %eq3A_7 = arith.cmpi eq, %arg0, %eq3A_6 : i32
    %get3A_8 = arith.constant 0 : index
    %get3A_9 = arith.constant 0 : index
    %get3A_10 = vector.load %arg3[%get3A_8, %get3A_9] : memref<1000x9xf32, #tpu.memory_space<vmem>>, vector<1000x9xf32>
    %get3A_11 = arith.constant 0 : index
    %get3A_12 = arith.constant 0 : index
    %get3A_13 = vector.load %arg5[%get3A_11, %get3A_12] : memref<1000x9xf32, #tpu.memory_space<vmem>>, vector<1000x9xf32>
    %select_n3A_14 = arith.select %eq3A_7, %get3A_10, %get3A_13 : vector<1000x9xf32>
    %get3A_15 = arith.constant 0 : index
    %get3A_16 = arith.constant 0 : index
    %get3A_17 = vector.load %arg6[%get3A_15, %get3A_16] : memref<20x85xf32, #tpu.memory_space<vmem>>, vector<20x85xf32>
    %dot_general3A = arith.constant dense<0.000000e+00> : vector<1000x85xf32>
    %dot_general3A_18 = tpu.matmul %select_n3A, %get3A_17, %dot_general3A {dimension_numbers = #tpu.dot_dimension_numbers<[1], [0], [0], [1], [0, 0, 1, 1], [], []>, transpose_lhs_hint = false} : vector<1000x20xf32>, vector<20x85xf32>, vector<1000x85xf32> -> vector<1000x85xf32>
    %slice3A = vector.extract_strided_slice %select_n3A_14 {offsets = [0, 0], sizes = [1000, 3], strides = [1, 1]} : vector<1000x9xf32> to vector<1000x3xf32>
    %slice3A_19 = vector.extract_strided_slice %select_n3A_14 {offsets = [0, 3], sizes = [1000, 3], strides = [1, 1]} : vector<1000x9xf32> to vector<1000x3xf32>
    %slice3A_20 = vector.extract_strided_slice %select_n3A_14 {offsets = [0, 6], sizes = [1000, 3], strides = [1, 1]} : vector<1000x9xf32> to vector<1000x3xf32>
    %sub3A = arith.subf %slice3A_20, %slice3A_19 : vector<1000x3xf32>
    %sub3A_21 = arith.subf %slice3A, %slice3A_19 : vector<1000x3xf32>
    %mul3A = arith.mulf %sub3A, %sub3A : vector<1000x3xf32>
    %reduce_sum3A = arith.constant dense<0.000000e+00> : vector<1000xf32>
    %reduce_sum3A_22 = vector.multi_reduction <add>, %mul3A, %reduce_sum3A [1] : vector<1000x3xf32> to vector<1000xf32>
    %broadcast_in_dim3A = vector.shape_cast %reduce_sum3A_22 : vector<1000xf32> to vector<1000x1xf32>
    %sqrt3A = math.sqrt %broadcast_in_dim3A : vector<1000x1xf32>
    %add3A = arith.constant 9.99999993E-9 : f32
    %add3A_23 = vector.broadcast %add3A : f32 to vector<1000x1xf32>
    %add3A_24 = arith.addf %sqrt3A, %add3A_23 : vector<1000x1xf32>
    %div3A = vector.broadcast %add3A_24 : vector<1000x1xf32> to vector<1000x3xf32>
    %div3A_25 = arith.divf %sub3A, %div3A : vector<1000x3xf32>
    %mul3A_26 = arith.mulf %div3A_25, %sub3A_21 : vector<1000x3xf32>
    %reduce_sum3A_27 = arith.constant dense<0.000000e+00> : vector<1000xf32>
    %reduce_sum3A_28 = vector.multi_reduction <add>, %mul3A_26, %reduce_sum3A_27 [1] : vector<1000x3xf32> to vector<1000xf32>
    %broadcast_in_dim3A_29 = vector.shape_cast %reduce_sum3A_28 : vector<1000xf32> to vector<1000x1xf32>
    %mul3A_30 = vector.broadcast %broadcast_in_dim3A_29 : vector<1000x1xf32> to vector<1000x3xf32>
    %mul3A_31 = arith.mulf %div3A_25, %mul3A_30 : vector<1000x3xf32>
    %sub3A_32 = arith.subf %sub3A_21, %mul3A_31 : vector<1000x3xf32>
    %mul3A_33 = arith.mulf %sub3A_32, %sub3A_32 : vector<1000x3xf32>
    %reduce_sum3A_34 = arith.constant dense<0.000000e+00> : vector<1000xf32>
    %reduce_sum3A_35 = vector.multi_reduction <add>, %mul3A_33, %reduce_sum3A_34 [1] : vector<1000x3xf32> to vector<1000xf32>
    %broadcast_in_dim3A_36 = vector.shape_cast %reduce_sum3A_35 : vector<1000xf32> to vector<1000x1xf32>
    %sqrt3A_37 = math.sqrt %broadcast_in_dim3A_36 : vector<1000x1xf32>
    %add3A_38 = arith.constant 9.99999993E-9 : f32
    %add3A_39 = vector.broadcast %add3A_38 : f32 to vector<1000x1xf32>
    %add3A_40 = arith.addf %sqrt3A_37, %add3A_39 : vector<1000x1xf32>
    %div3A_41 = vector.broadcast %add3A_40 : vector<1000x1xf32> to vector<1000x3xf32>
    %div3A_42 = arith.divf %sub3A_32, %div3A_41 : vector<1000x3xf32>
    %slice3A_43 = vector.extract_strided_slice %div3A_25 {offsets = [0, 1], sizes = [1000, 1], strides = [1, 1]} : vector<1000x3xf32> to vector<1000x1xf32>
    %slice3A_44 = vector.extract_strided_slice %div3A_42 {offsets = [0, 2], sizes = [1000, 1], strides = [1, 1]} : vector<1000x3xf32> to vector<1000x1xf32>
    %mul3A_45 = arith.mulf %slice3A_43, %slice3A_44 : vector<1000x1xf32>
    %slice3A_46 = vector.extract_strided_slice %div3A_25 {offsets = [0, 2], sizes = [1000, 1], strides = [1, 1]} : vector<1000x3xf32> to vector<1000x1xf32>
    %slice3A_47 = vector.extract_strided_slice %div3A_42 {offsets = [0, 1], sizes = [1000, 1], strides = [1, 1]} : vector<1000x3xf32> to vector<1000x1xf32>
    %mul3A_48 = arith.mulf %slice3A_46, %slice3A_47 : vector<1000x1xf32>
    %sub3A_49 = arith.subf %mul3A_45, %mul3A_48 : vector<1000x1xf32>
    %slice3A_50 = vector.extract_strided_slice %div3A_25 {offsets = [0, 2], sizes = [1000, 1], strides = [1, 1]} : vector<1000x3xf32> to vector<1000x1xf32>
    %slice3A_51 = vector.extract_strided_slice %div3A_42 {offsets = [0, 0], sizes = [1000, 1], strides = [1, 1]} : vector<1000x3xf32> to vector<1000x1xf32>
    %mul3A_52 = arith.mulf %slice3A_50, %slice3A_51 : vector<1000x1xf32>
    %slice3A_53 = vector.extract_strided_slice %div3A_25 {offsets = [0, 0], sizes = [1000, 1], strides = [1, 1]} : vector<1000x3xf32> to vector<1000x1xf32>
    %slice3A_54 = vector.extract_strided_slice %div3A_42 {offsets = [0, 2], sizes = [1000, 1], strides = [1, 1]} : vector<1000x3xf32> to vector<1000x1xf32>
    %mul3A_55 = arith.mulf %slice3A_53, %slice3A_54 : vector<1000x1xf32>
    %sub3A_56 = arith.subf %mul3A_52, %mul3A_55 : vector<1000x1xf32>
    %slice3A_57 = vector.extract_strided_slice %div3A_25 {offsets = [0, 0], sizes = [1000, 1], strides = [1, 1]} : vector<1000x3xf32> to vector<1000x1xf32>
    %slice3A_58 = vector.extract_strided_slice %div3A_42 {offsets = [0, 1], sizes = [1000, 1], strides = [1, 1]} : vector<1000x3xf32> to vector<1000x1xf32>
    %mul3A_59 = arith.mulf %slice3A_57, %slice3A_58 : vector<1000x1xf32>
    %slice3A_60 = vector.extract_strided_slice %div3A_25 {offsets = [0, 1], sizes = [1000, 1], strides = [1, 1]} : vector<1000x3xf32> to vector<1000x1xf32>
    %slice3A_61 = vector.extract_strided_slice %div3A_42 {offsets = [0, 0], sizes = [1000, 1], strides = [1, 1]} : vector<1000x3xf32> to vector<1000x1xf32>
    %mul3A_62 = arith.mulf %slice3A_60, %slice3A_61 : vector<1000x1xf32>
    %sub3A_63 = arith.subf %mul3A_59, %mul3A_62 : vector<1000x1xf32>
    %concatenate3A = tpu.concatenate %sub3A_49, %sub3A_56, %sub3A_63 in 1 : vector<1000x1xf32>, vector<1000x1xf32>, vector<1000x1xf32> -> vector<1000x3xf32>
    %slice3A_64 = vector.extract_strided_slice %dot_general3A_18 {offsets = [0, 16], sizes = [1000, 1], strides = [1, 1]} : vector<1000x85xf32> to vector<1000x1xf32>
    %div3A_65 = arith.constant 1.000000e+00 : f32
    %div3A_66 = vector.broadcast %div3A_65 : f32 to vector<1000x1xf32>
    %div3A_67 = arith.divf %div3A_66, %slice3A_64 : vector<1000x1xf32>
    %slice3A_68 = vector.extract_strided_slice %dot_general3A_18 {offsets = [0, 0], sizes = [1000, 3], strides = [1, 1]} : vector<1000x85xf32> to vector<1000x3xf32>
    %mul3A_69 = vector.broadcast %div3A_67 : vector<1000x1xf32> to vector<1000x3xf32>
    %mul3A_70 = arith.mulf %slice3A_68, %mul3A_69 : vector<1000x3xf32>
    %slice3A_71 = vector.extract_strided_slice %mul3A_70 {offsets = [0, 0], sizes = [1000, 1], strides = [1, 1]} : vector<1000x3xf32> to vector<1000x1xf32>
    %mul3A_72 = vector.broadcast %slice3A_71 : vector<1000x1xf32> to vector<1000x3xf32>
    %mul3A_73 = arith.mulf %mul3A_72, %div3A_25 : vector<1000x3xf32>
    %slice3A_74 = vector.extract_strided_slice %mul3A_70 {offsets = [0, 1], sizes = [1000, 1], strides = [1, 1]} : vector<1000x3xf32> to vector<1000x1xf32>
    %mul3A_75 = vector.broadcast %slice3A_74 : vector<1000x1xf32> to vector<1000x3xf32>
    %mul3A_76 = arith.mulf %mul3A_75, %div3A_42 : vector<1000x3xf32>
    %add3A_77 = arith.addf %mul3A_73, %mul3A_76 : vector<1000x3xf32>
    %slice3A_78 = vector.extract_strided_slice %mul3A_70 {offsets = [0, 2], sizes = [1000, 1], strides = [1, 1]} : vector<1000x3xf32> to vector<1000x1xf32>
    %mul3A_79 = vector.broadcast %slice3A_78 : vector<1000x1xf32> to vector<1000x3xf32>
    %mul3A_80 = arith.mulf %mul3A_79, %concatenate3A : vector<1000x3xf32>
    %add3A_81 = arith.addf %add3A_77, %mul3A_80 : vector<1000x3xf32>
    %add3A_82 = arith.addf %add3A_81, %slice3A_19 : vector<1000x3xf32>
    %slice3A_83 = vector.extract_strided_slice %dot_general3A_18 {offsets = [0, 3], sizes = [1000, 13], strides = [1, 1]} : vector<1000x85xf32> to vector<1000x13xf32>
    %mul3A_84 = vector.broadcast %div3A_67 : vector<1000x1xf32> to vector<1000x13xf32>
    %mul3A_85 = arith.mulf %slice3A_83, %mul3A_84 : vector<1000x13xf32>
    %slice3A_86 = vector.extract_strided_slice %dot_general3A_18 {offsets = [0, 33], sizes = [1000, 1], strides = [1, 1]} : vector<1000x85xf32> to vector<1000x1xf32>
    %div3A_87 = arith.constant 1.000000e+00 : f32
    %div3A_88 = vector.broadcast %div3A_87 : f32 to vector<1000x1xf32>
    %div3A_89 = arith.divf %div3A_88, %slice3A_86 : vector<1000x1xf32>
    %slice3A_90 = vector.extract_strided_slice %dot_general3A_18 {offsets = [0, 17], sizes = [1000, 3], strides = [1, 1]} : vector<1000x85xf32> to vector<1000x3xf32>
    %mul3A_91 = vector.broadcast %div3A_89 : vector<1000x1xf32> to vector<1000x3xf32>
    %mul3A_92 = arith.mulf %slice3A_90, %mul3A_91 : vector<1000x3xf32>
    %slice3A_93 = vector.extract_strided_slice %mul3A_92 {offsets = [0, 0], sizes = [1000, 1], strides = [1, 1]} : vector<1000x3xf32> to vector<1000x1xf32>
    %mul3A_94 = vector.broadcast %slice3A_93 : vector<1000x1xf32> to vector<1000x3xf32>
    %mul3A_95 = arith.mulf %mul3A_94, %div3A_25 : vector<1000x3xf32>
    %slice3A_96 = vector.extract_strided_slice %mul3A_92 {offsets = [0, 1], sizes = [1000, 1], strides = [1, 1]} : vector<1000x3xf32> to vector<1000x1xf32>
    %mul3A_97 = vector.broadcast %slice3A_96 : vector<1000x1xf32> to vector<1000x3xf32>
    %mul3A_98 = arith.mulf %mul3A_97, %div3A_42 : vector<1000x3xf32>
    %add3A_99 = arith.addf %mul3A_95, %mul3A_98 : vector<1000x3xf32>
    %slice3A_100 = vector.extract_strided_slice %mul3A_92 {offsets = [0, 2], sizes = [1000, 1], strides = [1, 1]} : vector<1000x3xf32> to vector<1000x1xf32>
    %mul3A_101 = vector.broadcast %slice3A_100 : vector<1000x1xf32> to vector<1000x3xf32>
    %mul3A_102 = arith.mulf %mul3A_101, %concatenate3A : vector<1000x3xf32>
    %add3A_103 = arith.addf %add3A_99, %mul3A_102 : vector<1000x3xf32>
    %add3A_104 = arith.addf %add3A_103, %slice3A_19 : vector<1000x3xf32>
    %slice3A_105 = vector.extract_strided_slice %dot_general3A_18 {offsets = [0, 20], sizes = [1000, 13], strides = [1, 1]} : vector<1000x85xf32> to vector<1000x13xf32>
    %mul3A_106 = vector.broadcast %div3A_89 : vector<1000x1xf32> to vector<1000x13xf32>
    %mul3A_107 = arith.mulf %slice3A_105, %mul3A_106 : vector<1000x13xf32>
    %slice3A_108 = vector.extract_strided_slice %dot_general3A_18 {offsets = [0, 50], sizes = [1000, 1], strides = [1, 1]} : vector<1000x85xf32> to vector<1000x1xf32>
    %div3A_109 = arith.constant 1.000000e+00 : f32
    %div3A_110 = vector.broadcast %div3A_109 : f32 to vector<1000x1xf32>
    %div3A_111 = arith.divf %div3A_110, %slice3A_108 : vector<1000x1xf32>
    %slice3A_112 = vector.extract_strided_slice %dot_general3A_18 {offsets = [0, 34], sizes = [1000, 3], strides = [1, 1]} : vector<1000x85xf32> to vector<1000x3xf32>
    %mul3A_113 = vector.broadcast %div3A_111 : vector<1000x1xf32> to vector<1000x3xf32>
    %mul3A_114 = arith.mulf %slice3A_112, %mul3A_113 : vector<1000x3xf32>
    %slice3A_115 = vector.extract_strided_slice %mul3A_114 {offsets = [0, 0], sizes = [1000, 1], strides = [1, 1]} : vector<1000x3xf32> to vector<1000x1xf32>
    %mul3A_116 = vector.broadcast %slice3A_115 : vector<1000x1xf32> to vector<1000x3xf32>
    %mul3A_117 = arith.mulf %mul3A_116, %div3A_25 : vector<1000x3xf32>
    %slice3A_118 = vector.extract_strided_slice %mul3A_114 {offsets = [0, 1], sizes = [1000, 1], strides = [1, 1]} : vector<1000x3xf32> to vector<1000x1xf32>
    %mul3A_119 = vector.broadcast %slice3A_118 : vector<1000x1xf32> to vector<1000x3xf32>
    %mul3A_120 = arith.mulf %mul3A_119, %div3A_42 : vector<1000x3xf32>
    %add3A_121 = arith.addf %mul3A_117, %mul3A_120 : vector<1000x3xf32>
    %slice3A_122 = vector.extract_strided_slice %mul3A_114 {offsets = [0, 2], sizes = [1000, 1], strides = [1, 1]} : vector<1000x3xf32> to vector<1000x1xf32>
    %mul3A_123 = vector.broadcast %slice3A_122 : vector<1000x1xf32> to vector<1000x3xf32>
    %mul3A_124 = arith.mulf %mul3A_123, %concatenate3A : vector<1000x3xf32>
    %add3A_125 = arith.addf %add3A_121, %mul3A_124 : vector<1000x3xf32>
    %add3A_126 = arith.addf %add3A_125, %slice3A_19 : vector<1000x3xf32>
    %slice3A_127 = vector.extract_strided_slice %dot_general3A_18 {offsets = [0, 37], sizes = [1000, 13], strides = [1, 1]} : vector<1000x85xf32> to vector<1000x13xf32>
    %mul3A_128 = vector.broadcast %div3A_111 : vector<1000x1xf32> to vector<1000x13xf32>
    %mul3A_129 = arith.mulf %slice3A_127, %mul3A_128 : vector<1000x13xf32>
    %slice3A_130 = vector.extract_strided_slice %dot_general3A_18 {offsets = [0, 67], sizes = [1000, 1], strides = [1, 1]} : vector<1000x85xf32> to vector<1000x1xf32>
    %div3A_131 = arith.constant 1.000000e+00 : f32
    %div3A_132 = vector.broadcast %div3A_131 : f32 to vector<1000x1xf32>
    %div3A_133 = arith.divf %div3A_132, %slice3A_130 : vector<1000x1xf32>
    %slice3A_134 = vector.extract_strided_slice %dot_general3A_18 {offsets = [0, 51], sizes = [1000, 3], strides = [1, 1]} : vector<1000x85xf32> to vector<1000x3xf32>
    %mul3A_135 = vector.broadcast %div3A_133 : vector<1000x1xf32> to vector<1000x3xf32>
    %mul3A_136 = arith.mulf %slice3A_134, %mul3A_135 : vector<1000x3xf32>
    %slice3A_137 = vector.extract_strided_slice %mul3A_136 {offsets = [0, 0], sizes = [1000, 1], strides = [1, 1]} : vector<1000x3xf32> to vector<1000x1xf32>
    %mul3A_138 = vector.broadcast %slice3A_137 : vector<1000x1xf32> to vector<1000x3xf32>
    %mul3A_139 = arith.mulf %mul3A_138, %div3A_25 : vector<1000x3xf32>
    %slice3A_140 = vector.extract_strided_slice %mul3A_136 {offsets = [0, 1], sizes = [1000, 1], strides = [1, 1]} : vector<1000x3xf32> to vector<1000x1xf32>
    %mul3A_141 = vector.broadcast %slice3A_140 : vector<1000x1xf32> to vector<1000x3xf32>
    %mul3A_142 = arith.mulf %mul3A_141, %div3A_42 : vector<1000x3xf32>
    %add3A_143 = arith.addf %mul3A_139, %mul3A_142 : vector<1000x3xf32>
    %slice3A_144 = vector.extract_strided_slice %mul3A_136 {offsets = [0, 2], sizes = [1000, 1], strides = [1, 1]} : vector<1000x3xf32> to vector<1000x1xf32>
    %mul3A_145 = vector.broadcast %slice3A_144 : vector<1000x1xf32> to vector<1000x3xf32>
    %mul3A_146 = arith.mulf %mul3A_145, %concatenate3A : vector<1000x3xf32>
    %add3A_147 = arith.addf %add3A_143, %mul3A_146 : vector<1000x3xf32>
    %add3A_148 = arith.addf %add3A_147, %slice3A_19 : vector<1000x3xf32>
    %slice3A_149 = vector.extract_strided_slice %dot_general3A_18 {offsets = [0, 54], sizes = [1000, 13], strides = [1, 1]} : vector<1000x85xf32> to vector<1000x13xf32>
    %mul3A_150 = vector.broadcast %div3A_133 : vector<1000x1xf32> to vector<1000x13xf32>
    %mul3A_151 = arith.mulf %slice3A_149, %mul3A_150 : vector<1000x13xf32>
    %slice3A_152 = vector.extract_strided_slice %dot_general3A_18 {offsets = [0, 84], sizes = [1000, 1], strides = [1, 1]} : vector<1000x85xf32> to vector<1000x1xf32>
    %div3A_153 = arith.constant 1.000000e+00 : f32
    %div3A_154 = vector.broadcast %div3A_153 : f32 to vector<1000x1xf32>
    %div3A_155 = arith.divf %div3A_154, %slice3A_152 : vector<1000x1xf32>
    %slice3A_156 = vector.extract_strided_slice %dot_general3A_18 {offsets = [0, 68], sizes = [1000, 3], strides = [1, 1]} : vector<1000x85xf32> to vector<1000x3xf32>
    %mul3A_157 = vector.broadcast %div3A_155 : vector<1000x1xf32> to vector<1000x3xf32>
    %mul3A_158 = arith.mulf %slice3A_156, %mul3A_157 : vector<1000x3xf32>
    %slice3A_159 = vector.extract_strided_slice %mul3A_158 {offsets = [0, 0], sizes = [1000, 1], strides = [1, 1]} : vector<1000x3xf32> to vector<1000x1xf32>
    %mul3A_160 = vector.broadcast %slice3A_159 : vector<1000x1xf32> to vector<1000x3xf32>
    %mul3A_161 = arith.mulf %mul3A_160, %div3A_25 : vector<1000x3xf32>
    %slice3A_162 = vector.extract_strided_slice %mul3A_158 {offsets = [0, 1], sizes = [1000, 1], strides = [1, 1]} : vector<1000x3xf32> to vector<1000x1xf32>
    %mul3A_163 = vector.broadcast %slice3A_162 : vector<1000x1xf32> to vector<1000x3xf32>
    %mul3A_164 = arith.mulf %mul3A_163, %div3A_42 : vector<1000x3xf32>
    %add3A_165 = arith.addf %mul3A_161, %mul3A_164 : vector<1000x3xf32>
    %slice3A_166 = vector.extract_strided_slice %mul3A_158 {offsets = [0, 2], sizes = [1000, 1], strides = [1, 1]} : vector<1000x3xf32> to vector<1000x1xf32>
    %mul3A_167 = vector.broadcast %slice3A_166 : vector<1000x1xf32> to vector<1000x3xf32>
    %mul3A_168 = arith.mulf %mul3A_167, %concatenate3A : vector<1000x3xf32>
    %add3A_169 = arith.addf %add3A_165, %mul3A_168 : vector<1000x3xf32>
    %add3A_170 = arith.addf %add3A_169, %slice3A_19 : vector<1000x3xf32>
    %slice3A_171 = vector.extract_strided_slice %dot_general3A_18 {offsets = [0, 71], sizes = [1000, 13], strides = [1, 1]} : vector<1000x85xf32> to vector<1000x13xf32>
    %mul3A_172 = vector.broadcast %div3A_155 : vector<1000x1xf32> to vector<1000x13xf32>
    %mul3A_173 = arith.mulf %slice3A_171, %mul3A_172 : vector<1000x13xf32>
    %concatenate3A_174 = tpu.concatenate %add3A_82, %mul3A_85, %slice3A_64, %add3A_104, %mul3A_107, %slice3A_86, %add3A_126, %mul3A_129, %slice3A_108, %add3A_148, %mul3A_151, %slice3A_130, %add3A_170, %mul3A_173, %slice3A_152 in 1 : vector<1000x3xf32>, vector<1000x13xf32>, vector<1000x1xf32>, vector<1000x3xf32>, vector<1000x13xf32>, vector<1000x1xf32>, vector<1000x3xf32>, vector<1000x13xf32>, vector<1000x1xf32>, vector<1000x3xf32>, vector<1000x13xf32>, vector<1000x1xf32>, vector<1000x3xf32>, vector<1000x13xf32>, vector<1000x1xf32> -> vector<1000x85xf32>
    %swap3A = arith.constant 0 : index
    %swap3A_175 = arith.constant 0 : index
    %swap3A_176 = vector.load %arg7[%swap3A, %swap3A_175] : memref<1000x85xf32, #tpu.memory_space<vmem>>, vector<1000x85xf32>
    tpu.vector_store %arg7[%swap3A, %swap3A_175], %concatenate3A_174 {strides = array<i32>} : memref<1000x85xf32, #tpu.memory_space<vmem>>, vector<1000x85xf32>,
    return
  }
  func.func @transform_0(%arg0: i32, %arg1: i32) -> (i32, i32) {
    %c0_i32 = arith.constant 0 : i32
    %c0_i32_0 = arith.constant 0 : i32
    return %arg1, %c0_i32 : i32, i32
  }
  func.func @transform_1(%arg0: i32, %arg1: i32) -> (i32, i32) {
    %c0_i32 = arith.constant 0 : i32
    %c0_i32_0 = arith.constant 0 : i32
    return %arg1, %c0_i32 : i32, i32
  }
  func.func @transform_2(%arg0: i32, %arg1: i32) -> (i32, i32) {
    %c0_i32 = arith.constant 0 : i32
    %c0_i32_0 = arith.constant 0 : i32
    return %arg1, %c0_i32 : i32, i32
  }
  func.func @transform_3(%arg0: i32, %arg1: i32) -> (i32, i32) {
    %c0_i32 = arith.constant 0 : i32
    %c0_i32_0 = arith.constant 0 : i32
    return %arg1, %c0_i32 : i32, i32
  }
  func.func @transform_4(%arg0: i32, %arg1: i32) -> (i32, i32) {
    %c0_i32 = arith.constant 0 : i32
    %c0_i32_0 = arith.constant 0 : i32
    %c0_i32_1 = arith.constant 0 : i32
    return %c0_i32, %c0_i32_0 : i32, i32
  }
  func.func @transform_5(%arg0: i32, %arg1: i32) -> (i32, i32) {
    %mul3A = arith.constant 50 : i32
    %mul3A_0 = arith.muli %arg0, %mul3A : i32
    %add3A = arith.addi %mul3A_0, %arg1 : i32
    %c0_i32 = arith.constant 0 : i32
    %c0_i32_1 = arith.constant 0 : i32
    return %add3A, %c0_i32 : i32, i32
  }
}

</mosaic_0001>

<sc_bundles>
// kernel: sparse-core-data-format-call.cloned.1.call-start
scs
called_computation_lowered:
.L_overlay_start_0:
0x0: {  	s2 =	sld [smem:$0x3FD9]  }
0x1: {  	s3 =	sld [smem:$0x3FFE];
	_ =	sdelay $0x1  }
0x2: {  	s1 =	srdreg.scid  }
0x3: {  	s0 =	sand.u32 $0x1, s1  }
0x4: {  	s18 =	sshll.u32 s0, $0xA;
	s2 =	sadd.s32 s3, s2  }
0x5: {  	s2 =	sadd.s32 s2, s18  }
0x6: {  	[smem:$0x3FC0] =	sst s2  }
0x7: {  	_ = 	snop  }
0x8: {  	s2 =	sld [smem:$0x3FD0];
	(tm) =	ssettm $0x1  }
0x9: {  	s19 =	sld [smem:$0x3FFB];
	_ =	sdelay $0x3  }
0xa: {  	_ =	strace s19  }
0xb: {  	s3 =	sld [smem:$0x3FFC];
	_ =	sdelay $0x3  }
0xc: {  	_ =	strace s3  }
0xd: {  	s3 =	sld [smem:$0x3FFD];
	_ =	sdelay $0x3  }
0xe: {  	_ =	strace s3  }
0xf: {  	_ =	strace $0x8FFFFFFF  }
0x10: {  	s20 =	sld [smem:$0x3FDB];
	_ =	sdelay $0x1  }
0x11: {  	s4 =	simm.s32 $_scs_section_size  }
0x12: {  	s5 =	simm.s32 $_size__tile_overlayer_lowered;
	s6 =	simm.s32 $_tile_overlayer_lowered  }
0x13: {  	s23 =	simm.s32 $0x1BFF;
	s22 =	sshll.u32 s6, $0x1;
	s3 =	sadd.s32 s4, s20  }
0x14: {  	s7 =	simm.s32 $0x0;
	s21 =	sshll.u32 s5, $0x1;
	s5 =	sadd.s32 s22, s3  }
0x15: {  	[timem:s7], [sflag:s23] =	dma.local [hbm:s5], s21  }
0x16: {  	_ =	swait.ge [sflag:s23], s21  }
0x17: {  	s4 =	ssub.s32 $0x0, s21;
	[sflag:s23] =	ssyncset.done $0x0  }
0x18: {  	[sflag:s23] =	ssyncadd.s32 s4;
	_ =	sdelay $0x1  }
0x19: {  	s24 =	simm.s32 $0x1B8B  }
0x1a: {  	_ =	swait.ge [sflag:s24], $0x1  }
0x1b: {  	[sflag:s24] =	ssyncset.done $0x0  }
0x1c: {  	s26 =	simm.s32 $0x1B8E;
	s25 =	sld [smem:$0x3FFE];
	[sflag:s24] =	ssyncadd.s32 $0xFFFFFFFF  }
0x1d: {  	s27 =	simm.s32 $execute0_lowered;
	[smem:$0x3FD2] =	sst s26  }
0x1e: {  	s5 =	sshll.u32 s27, $0x1;
	_ =	strace $0x80000046;
	[dreg:$0x1] =	wrdreg $0xFFFFFFFF  }
0x1f: {  	s28 =	simm.s32 $_size_execute0_lowered;
	s3 =	sadd.s32 s3, s5;
	[dreg:$0x0] =	wrdreg $0x0  }
0x20: {  	s5 =	sshll.u32 s28, $0x1;
	[dreg:$0x2] =	wrdreg s3  }
0x21: {  	[dreg:$0x3] =	wrdreg s5  }
0x22: {  	[dreg:$0x4] =	wrdreg $0xC0  }
0x23: {  	_ =	task [dreg:s7], $0x5FFFF  }
0x24: {  	[dreg:$0x1] =	wrdreg $0xFFFFFFFF  }
0x25: {  	[dreg:$0x0] =	wrdreg $0x60  }
0x26: {  	[dreg:$0x2] =	wrdreg s25  }
0x27: {  	[dreg:$0x3] =	wrdreg s2  }
0x28: {  	[dreg:$0x4] =	wrdreg $0x9  }
0x29: {  	_ =	task.clear_ibuf [dreg:s7], $0x5FFFF;
	_ =	strace $0x90000046  }
0x2a: {  	s29 =	simm.s32 $0x9;
	_ =	strace $0x80000048  }
0x2b: {  	_ =	swait.ge [sflag:s29], $0x1  }
0x2c: {  	[sflag:s29] =	ssyncadd.s32 $0xFFFFFFFF  }
0x2d: {  	_ =	strace $0x90000048  }
0x2e: {  	_ =	sfence  }
0x2f: {  	s30 =	sld [smem:$0x0];
	_ =	sdelay $0x2  }
0x30: {  	s31 =	sshll.u32 s1, $0xD;
	s1 =	sshrl.u32 s1, $0x2  }
0x31: {  	s3 =	sand.u32 $0x4000, s31;
	s1 =	sadd.s32 s1, s30  }
0x32: {  	s0 =	sor.u32 s3, s0;
	s1 =	sshll.u32 s1, $0x11  }
0x33: {  	s0 =	sor.u32 s1, s0  }
0x34: {  	s0 =	sadd.s32 $0x8F2B, s0  }
0x35: {  	[sflag:s0] =	ssyncadd.remote.s32 $0x1  }
0x36: {  	_ =	sfence.sel $0xFFFF  }
0x37: {  	[dreg:$0x0] =	wrdreg $0xFFFFFFFF;
	(pc) =	sbr.abs _section_cstart, $3  }
0x38: {  	[dreg:$0x1] =	wrdreg $0xFFFFFFFF  }
0x39: {  	_ =	task.clear_ibuf [dreg:s7], $0x2FFFF;
	_ =	strace $0x9FFFFFFF  }
0x3a: {  	(tm) =	ssettm $0x7FFFFFFF  }
0x3b: {  	_ =	shalt  }
tec
execute0_lowered:
.L_overlay_start_1:
0x0: {  	(tag) =	ssettag $0x1  }
0x1: {  	s0 =	srdreg.scid  }
0x2: {  	s5 =	rddreg [dreg:$0x0];
	s1 =	sshll.u32 s0, $0x4  }
0x3: {  	s3 =	rddreg [dreg:$0x1];
	s0 =	stileid.u32;
	s1 =	sand.u32 $0x10, s1  }
0x4: {  	s31 =	simm.s32 $0x2;
	s12 =	simm.s32 $0x0;
	s1 =	sor.u32 s0, s1  }
0x5: {  	p0 =	por $0x0, $0x0;
	s11 =	simm.s32 $0x0;
	s2 =	sshll.u32 s1, $0x7  }
.Ltmp0:
0x6: {  	s8 =	simm.s32 $0x0;
	s4 =	ssub.s32 $0x7A100, s2;
	(pc) =	sbr.rel .LBB1_1-.Ltmp0, $4  }
0x7: {  	s10 =	simm.s32 $0x0;
	s1 =	rddreg [dreg:$0x2];
	s6 =	sshrl.u32 s4, $0xC  }
0x8: {  	_ =	strace $0x80000047;
	s4 =	simm.s32 $0x1;
	s7 =	smul.u32 $0x3, s6  }
0x9: {  	s5 =	sadd.s32 $0x3D2000, s5;
	s9 =	smov.u32 s2;
	[sflag:s4] =	ssyncpa.u1 $0x0  }
0xa: {  	[sflag:s31] =	ssyncpa.u1 $0x0;
	s6 =	sadd.s32 $0x3, s7;
	s7 =	sadd.s32 $0x4, s7  }
.LBB1_5:
0xb: {  	s13 =	sadd.s32 $0x8, s8  }
0xc: {  	s11 =	sadd.s32 $0x1000, s9;
	s15 =	smov.u32 s9;
	p2 =	sgt.s32 s13, $0x10  }
0xd: {  	s15 =	smov.u32 @p2 s11  }
0xe: {  	s13 =	simm.s32 @p2 $0x0;
	p2 =	sgt.s32 s15, $0x7A11F  }
0xf: {  	s15 =	smov.u32 @p2 s2;
	p2 =	sne.s32 s10, s7  }
.Ltmp1:
0x10: {  	p1 =	slt.u32 s10, $0x2;
	(pc) =	sbr.rel @!p2 .LBB1_6-.Ltmp1, $4  }
0x11: {  	s14 =	simm.s32 @!p1 $0x2  }
0x12: {  	s12 =	smov.u32 s8;
	p0 =	por !p0, !p0;
	_ =	swait.ge @!p1 [sflag:s14], $0x400  }
0x13: {  	s11 =	smov.u32 s9;
	[sflag:s14] =	ssyncset.done @!p1 $0x0;
	s8 =	smov.u32 s13  }
0x14: {  	s10 =	sadd.s32 $0x1, s10;
	[sflag:s14] =	ssyncadd.s32 @!p1 $0xFFFFFC00;
	s9 =	smov.u32 s15  }
.LBB1_1:
0x15: {  	p1 =	sge.u32 s10, s6  }
0x16: {  	s13 =	sshll.u32 @!p1 s9, $0x7  }
0x17: {  	s14 =	sshll.u32 @!p1 s8, $0x3;
	p2 =	sgt.s32 @!p1 s9, $0x7A0A0;
	s16 =	sshra.s32 @!p1 s8, $0x1F  }
0x18: {  	s15 =	sand.u32 @!p1 $0xFFFFFC00, s13;
	s14 =	sand.u32 @!p1 $0xFFFFFC00, s14;
	s13 =	sand.u32 @!p1 $0x380, s13  }
0x19: {  	p2 =	por !p2, p1;
	s16 =	sand.u32 @!p1 s16, s8;
	s14 =	sadd.s32 @!p1 s15, s14  }
0x1a: {  	s15 =	sshra.s32 @!p1 s9, $0x1F;
	s13 =	sor.u32 @!p1 s13, s14;
	s14 =	smov.u32 s9  }
0x1b: {  	s15 =	sand.u32 @!p1 s15, s9;
	s14 =	simm.s32 @p2 $0x7A0A0;
	p2 =	sgt.s32 @!p1 s8, $0x78  }
0x1c: {  	s14 =	ssub.s32 @!p1 s14, s15;
	p2 =	por !p2, p1;
	s15 =	smov.u32 s8  }
0x1d: {  	s13 =	sshrl.u32 @!p1 s13, $0x7;
	s17 =	sadd.s32 @!p1 $0xFFF85F60, s14;
	s15 =	simm.s32 @p2 $0x78  }
0x1e: {  	s14 =	ssub.s32 @!p1 $0x7A120, s14;
	p2 =	sgt.s32 @!p1 s17, $0x7F;
	s15 =	ssub.s32 @!p1 s15, s16  }
0x1f: {  	s17 =	smulhi.u32 @!p1 $0x218DEF5, s13;
	p2 =	por !p2, p1;
	s16 =	sadd.s32 @!p1 $0xFFFFFF88, s15  }
0x20: {  	s14 =	simm.s32 @!p2 $0x0;
	p2 =	sgt.s32 @!p1 s16, $0x7  }
0x21: {  	s15 =	ssub.s32 @!p1 $0x80, s15;
	s16 =	sshrl.u32 @!p1 s17, $0xC;
	p2 =	por !p2, p1  }
0x22: {  	s17 =	sxor.u32 @!p1 $0xFFFFFFFF, s10;
	s16 =	smul.u32 @!p1 $0x7A120, s16;
	s15 =	simm.s32 @!p2 $0x0  }
0x23: {  	s17 =	sshll.u32 @!p1 s17, $0xA;
	s14 =	smul.u32 @!p1 s14, s15  }
0x24: {  	s15 =	sand.u32 @!p1 $0x400, s17;
	s13 =	ssub.s32 @!p1 s13, s16;
	s16 =	sshrl.u32 @!p1 s8, $0x3  }
0x25: {  	s17 =	sand.u32 @!p1 $0x7, s8;
	s16 =	sand.u32 @!p1 $0xF, s16;
	s13 =	sshll.u32 @!p1 s13, $0x4  }
0x26: {  	s17 =	sshll.u32 @!p1 s17, $0x12;
	s14 =	sand.u32 @!p1 $0x3FFFFFFF, s14;
	s16 =	sadd.s32 @!p1 s5, s16  }
0x27: {  	s13 =	sadd.s32 @!p1 s13, s16;
	s16 =	sor.u32 @!p1 $0x8, s17;
	s17 =	simm.s32 @!p1 $0x80  }
0x28: {  	[tilespmem:s15], [sflag:$0x1] =	stream.strided.gather @!p1 [hbm4b:s13+s16], s14, s17, s16, $0x38;
	[tilespmem:$0x1010] =	vst v63  }
0x29: {  	p1 =	seq.s32 s10, $0x0  }
0x2a: {  	p2 =	sge.u32 @!p1 s10, s7  }
0x2b: {  	p1 =	por p1, p2  }
.Ltmp2:
0x2c: {  	_ = 	snop;
	(pc) =	sbr.rel @p1 .LBB1_5-.Ltmp2, $1  }
0x2d: {  	_ =	sdelay $0x3  }
0x2e: {  	p1 =	sgt.s32 s11, $0x7A0A0  }
0x2f: {  	s13 =	smov.u32 s11;
	s14 =	sshra.s32 s11, $0x1F;
	s15 =	smov.u32 s12  }
0x30: {  	s16 =	sshra.s32 s12, $0x1F;
	s13 =	simm.s32 @!p1 $0x7A0A0;
	p1 =	sgt.s32 s12, $0x78  }
0x31: {  	s14 =	sand.u32 s14, s11;
	s28 =	sand.u32 s16, s12;
	s15 =	simm.s32 @!p1 $0x78  }
0x32: {  	s13 =	ssub.s32 s13, s14;
	s14 =	ssub.s32 s15, s28  }
0x33: {  	s29 =	sadd.s32 $0xFFF85F60, s13;
	s13 =	ssub.s32 $0x7A120, s13;
	s15 =	sadd.s32 $0xFFFFFF88, s14  }
0x34: {  	p1 =	sgt.s32 s29, $0x7F;
	s14 =	ssub.s32 $0x80, s14;
	p2 =	sgt.s32 s15, $0x7  }
0x35: {  	s13 =	simm.s32 @p1 $0x0;
	s14 =	simm.s32 @p2 $0x0  }
0x36: {  	s13 =	smul.u32 s13, s14;
	_ =	sdelay $0x1  }
0x37: {  	s14 =	simm.s32 $0x1;
	s13 =	sand.u32 $0x3FFFFFFF, s13  }
0x38: {  	s14 =	simm.s32 @!p0 $0x0;
	_ =	swait.ge [sflag:s4], s13  }
0x39: {  	s30 =	sshll.u32 s14, $0xA;
	s13 =	ssub.s32 $0x0, s13;
	[sflag:s4] =	ssyncset.done $0x0  }
0x3a: {  	s22 =	sor.u32 $0x20, s30;
	[sflag:s4] =	ssyncadd.s32 s13  }
0x3b: {  	v0 =	vld.msk [tilespmem:s22+$0xFFFFFFE0], $0xff  }
0x3c: {  	s31 =	smul.u32 $0x1020, s14;
	_ =	sdelay $0x1  }
0x3d: {  	s13 =	sshrl.u32 s31, $0x2  }
0x3e: {  	s13 =	sor.u32 $0x807, s13  }
0x3f: {  	[tilespmem:s13+$0xFFFFFFF9 ss:$0x81] =	vst.msk $0xff, v0  }
0x40: {  	v0 =	vld.msk [tilespmem:s22+$0xFFFFFFE8], $0xff  }
0x41: {  	s16 =	sadd.s32 $0x40, s22  }
0x42: {  	v1 =	vld.msk [tilespmem:s16+$0xFFFFFFE0], $0xff;
	_ =	sdelay $0x2  }
0x43: {  	[tilespmem:s13+$0xFFFFFFFA ss:$0x81] =	vst.msk $0xff, v0  }
0x44: {  	s14 =	sadd.s32 $0x8, s13;
	v0 =	vld.msk [tilespmem:s22+$0xFFFFFFF0], $0xff  }
0x45: {  	[tilespmem:s14+$0xFFFFFFF9 ss:$0x81] =	vst.msk $0xff, v1  }
0x46: {  	v1 =	vld.msk [tilespmem:s16+$0xFFFFFFE8], $0xff  }
0x47: {  	s17 =	sadd.s32 $0x40, s16  }
0x48: {  	v2 =	vld.msk [tilespmem:s17+$0xFFFFFFE0], $0xff  }
0x49: {  	[tilespmem:s13+$0xFFFFFFFB ss:$0x81] =	vst.msk $0xff, v0  }
0x4a: {  	v0 =	vld.msk [tilespmem:s22+$0xFFFFFFF8], $0xff  }
0x4b: {  	[tilespmem:s14+$0xFFFFFFFA ss:$0x81] =	vst.msk $0xff, v1  }
0x4c: {  	s15 =	sadd.s32 $0x8, s14;
	v1 =	vld.msk [tilespmem:s16+$0xFFFFFFF0], $0xff  }
0x4d: {  	[tilespmem:s15+$0xFFFFFFF9 ss:$0x81] =	vst.msk $0xff, v2  }
0x4e: {  	s20 =	sadd.s32 $0x40, s17;
	v2 =	vld.msk [tilespmem:s17+$0xFFFFFFE8], $0xff  }
0x4f: {  	[tilespmem:s13+$0xFFFFFFFC ss:$0x81] =	vst.msk $0xff, v0;
	v0 =	vld.msk [tilespmem:s20+$0xFFFFFFE0], $0xff  }
0x50: {  	v3 =	vld.msk [tilespmem:s22+$0x0], $0xff  }
0x51: {  	[tilespmem:s14+$0xFFFFFFFB ss:$0x81] =	vst.msk $0xff, v1  }
0x52: {  	v1 =	vld.msk [tilespmem:s16+$0xFFFFFFF8], $0xff  }
0x53: {  	s18 =	sadd.s32 $0x8, s15;
	[tilespmem:s15+$0xFFFFFFFA ss:$0x81] =	vst.msk $0xff, v2  }
0x54: {  	v2 =	vld.msk [tilespmem:s17+$0xFFFFFFF0], $0xff;
	[tilespmem:s18+$0xFFFFFFF9 ss:$0x81] =	vst.msk $0xff, v0  }
0x55: {  	v0 =	vld.msk [tilespmem:s20+$0xFFFFFFE8], $0xff;
	[tilespmem:s13+$0xFFFFFFFD ss:$0x81] =	vst.msk $0xff, v3  }
0x56: {  	s21 =	sadd.s32 $0x40, s20;
	v3 =	vld.msk [tilespmem:s22+$0x8], $0xff  }
0x57: {  	[tilespmem:s14+$0xFFFFFFFC ss:$0x81] =	vst.msk $0xff, v1;
	v1 =	vld.msk [tilespmem:s21+$0xFFFFFFE0], $0xff  }
0x58: {  	v4 =	vld.msk [tilespmem:s16+$0x0], $0xff  }
0x59: {  	[tilespmem:s15+$0xFFFFFFFB ss:$0x81] =	vst.msk $0xff, v2  }
0x5a: {  	v2 =	vld.msk [tilespmem:s17+$0xFFFFFFF8], $0xff;
	[tilespmem:s18+$0xFFFFFFFA ss:$0x81] =	vst.msk $0xff, v0  }
0x5b: {  	s19 =	sadd.s32 $0x8, s18;
	v0 =	vld.msk [tilespmem:s20+$0xFFFFFFF0], $0xff;
	[tilespmem:s13+$0xFFFFFFFE ss:$0x81] =	vst.msk $0xff, v3  }
0x5c: {  	[tilespmem:s19+$0xFFFFFFF9 ss:$0x81] =	vst.msk $0xff, v1;
	v1 =	vld.msk [tilespmem:s22+$0x10], $0xff  }
0x5d: {  	[tilespmem:s14+$0xFFFFFFFD ss:$0x81] =	vst.msk $0xff, v4;
	v3 =	vld.msk [tilespmem:s21+$0xFFFFFFE8], $0xff  }
0x5e: {  	s24 =	sadd.s32 $0x40, s21;
	v4 =	vld.msk [tilespmem:s16+$0x8], $0xff  }
0x5f: {  	[tilespmem:s15+$0xFFFFFFFC ss:$0x81] =	vst.msk $0xff, v2;
	v2 =	vld.msk [tilespmem:s24+$0xFFFFFFE0], $0xff  }
0x60: {  	v5 =	vld.msk [tilespmem:s17+$0x0], $0xff;
	[tilespmem:s18+$0xFFFFFFFB ss:$0x81] =	vst.msk $0xff, v0  }
0x61: {  	v6 =	vld.msk [tilespmem:s20+$0xFFFFFFF8], $0xff;
	[tilespmem:s13+$0xFFFFFFFF ss:$0x81] =	vst.msk $0xff, v1  }
0x62: {  	s23 =	sand.u32 $0x1, s10;
	[tilespmem:s19+$0xFFFFFFFA ss:$0x81] =	vst.msk $0xff, v3;
	v0 =	vld.msk [tilespmem:s22+$0x18], $0xff  }
0x63: {  	s23 =	smul.u32 $0x1020, s23;
	[tilespmem:s14+$0xFFFFFFFE ss:$0x81] =	vst.msk $0xff, v4;
	v3 =	vld.msk [tilespmem:s21+$0xFFFFFFF0], $0xff;
	s22 =	sadd.s32 $0x8, s19  }
0x64: {  	v1 =	vld.msk [tilespmem:s16+$0x10], $0xff;
	[tilespmem:s22+$0xFFFFFFF9 ss:$0x81] =	vst.msk $0xff, v2  }
0x65: {  	s23 =	sshrl.u32 s23, $0x2;
	[tilespmem:s15+$0xFFFFFFFD ss:$0x81] =	vst.msk $0xff, v5;
	v4 =	vld.msk [tilespmem:s24+$0xFFFFFFE8], $0xff  }
0x66: {  	s25 =	simm.s32 $0x28;
	s23 =	sor.u32 $0x800, s23;
	s26 =	sadd.s32 $0x40, s24;
	v2 =	vld.msk [tilespmem:s17+$0x8], $0xff;
	[tilespmem:s18+$0xFFFFFFFC ss:$0x81] =	vst.msk $0xff, v6  }
.LBB1_3:
0x67: {  	v5 =	vld.msk [tilespmem:s26+$0xFFFFFFE0], $0xff;
	[tilespmem:s13+$0x0 ss:$0x81] =	vst.msk $0xff, v0;
	s13 =	smov.u32 s14;
	s14 =	smov.u32 s15;
	s15 =	smov.u32 s18  }
0x68: {  	s25 =	sadd.s32 $0x8, s25;
	s18 =	smov.u32 s19;
	[tilespmem:s19+$0xFFFFFFFB ss:$0x81] =	vst.msk $0xff, v3;
	v6 =	vld.msk [tilespmem:s20+$0x0], $0xff;
	s19 =	smov.u32 s22  }
0x69: {  	p1 =	slt.u32 s25, $0x78;
	v7 =	vld.msk [tilespmem:s21+$0xFFFFFFF8], $0xff;
	[tilespmem:s13+$0xFFFFFFFF ss:$0x81] =	vst.msk $0xff, v1  }
.Ltmp3:
0x6a: {  	[tilespmem:s22+$0xFFFFFFFA ss:$0x81] =	vst.msk $0xff, v4;
	v0 =	vld.msk [tilespmem:s16+$0x18], $0xff;
	s16 =	smov.u32 s17;
	s17 =	smov.u32 s20;
	(pc) =	sbr.rel @p1 .LBB1_3-.Ltmp3, $4  }
0x6b: {  	s22 =	sadd.s32 $0x8, s22;
	s20 =	smov.u32 s21;
	s21 =	smov.u32 s24;
	v3 =	vld.msk [tilespmem:s24+$0xFFFFFFF0], $0xff;
	[tilespmem:s14+$0xFFFFFFFE ss:$0x81] =	vst.msk $0xff, v2  }
0x6c: {  	s24 =	smov.u32 s26;
	[tilespmem:s22+$0xFFFFFFF9 ss:$0x81] =	vst.msk $0xff, v5;
	v1 =	vld.msk [tilespmem:s16+$0x10], $0xff  }
0x6d: {  	v4 =	vld.msk [tilespmem:s26+$0xFFFFFFE8], $0xff;
	[tilespmem:s15+$0xFFFFFFFD ss:$0x81] =	vst.msk $0xff, v6  }
0x6e: {  	s26 =	sadd.s32 $0x40, s26;
	[tilespmem:s18+$0xFFFFFFFC ss:$0x81] =	vst.msk $0xff, v7;
	v2 =	vld.msk [tilespmem:s17+$0x8], $0xff  }
0x6f: {  	_ =	sdelay $0x2  }
0x70: {  	[tilespmem:s22+$0xFFFFFFFA ss:$0x81] =	vst.msk $0xff, v4  }
0x71: {  	v4 =	vld.msk [tilespmem:s24+$0xFFFFFFF0], $0xff;
	_ =	sdelay $0x3  }
0x72: {  	[tilespmem:s19+$0xFFFFFFFB ss:$0x81] =	vst.msk $0xff, v3  }
0x73: {  	v3 =	vld.msk [tilespmem:s21+$0xFFFFFFF8], $0xff;
	[tilespmem:s22+$0xFFFFFFFB ss:$0x81] =	vst.msk $0xff, v4  }
0x74: {  	v4 =	vld.msk [tilespmem:s24+$0xFFFFFFF8], $0xff;
	_ =	sdelay $0x3  }
0x75: {  	v5 =	vld.msk [tilespmem:s20+$0x0], $0xff;
	[tilespmem:s19+$0xFFFFFFFC ss:$0x81] =	vst.msk $0xff, v3  }
0x76: {  	v3 =	vld.msk [tilespmem:s21+$0x0], $0xff;
	[tilespmem:s22+$0xFFFFFFFC ss:$0x81] =	vst.msk $0xff, v4  }
0x77: {  	v4 =	vld.msk [tilespmem:s24+$0x0], $0xff;
	_ =	sdelay $0x2  }
0x78: {  	[tilespmem:s18+$0xFFFFFFFD ss:$0x81] =	vst.msk $0xff, v5  }
0x79: {  	v5 =	vld.msk [tilespmem:s20+$0x8], $0xff;
	[tilespmem:s19+$0xFFFFFFFD ss:$0x81] =	vst.msk $0xff, v3  }
0x7a: {  	s25 =	sshrl.u32 s12, $0x3;
	v3 =	vld.msk [tilespmem:s21+$0x8], $0xff;
	[tilespmem:s22+$0xFFFFFFFD ss:$0x81] =	vst.msk $0xff, v4  }
0x7b: {  	s26 =	sshll.u32 s11, $0x3;
	s25 =	smul.u32 $0x3D0C00, s25;
	v4 =	vld.msk [tilespmem:s24+$0x8], $0xff  }
0x7c: {  	s27 =	sshll.u32 s12, $0x7;
	s26 =	sand.u32 $0xFFFFFC00, s26  }
0x7d: {  	s12 =	sand.u32 $0x380, s27;
	s25 =	sadd.s32 s26, s25;
	[tilespmem:s15+$0xFFFFFFFE ss:$0x81] =	vst.msk $0xff, v2  }
0x7e: {  	s12 =	sor.u32 s12, s25;
	v2 =	vld.msk [tilespmem:s17+$0x10], $0xff;
	[tilespmem:s18+$0xFFFFFFFE ss:$0x81] =	vst.msk $0xff, v5  }
0x7f: {  	s25 =	sshrl.u32 s12, $0x7;
	v5 =	vld.msk [tilespmem:s20+$0x10], $0xff;
	[tilespmem:s19+$0xFFFFFFFE ss:$0x81] =	vst.msk $0xff, v3  }
0x80: {  	s25 =	smulhi.u32 $0x10C6249, s25;
	v3 =	vld.msk [tilespmem:s21+$0x10], $0xff;
	[tilespmem:s22+$0xFFFFFFFE ss:$0x81] =	vst.msk $0xff, v4  }
0x81: {  	v4 =	vld.msk [tilespmem:s24+$0x10], $0xff  }
0x82: {  	[tilespmem:s14+$0xFFFFFFFF ss:$0x81] =	vst.msk $0xff, v1;
	s25 =	sshrl.u32 s25, $0x4  }
0x83: {  	v1 =	vld.msk [tilespmem:s16+$0x18], $0xff;
	s28 =	smul.u32 $0x2AAB, s25;
	[tilespmem:s15+$0xFFFFFFFF ss:$0x81] =	vst.msk $0xff, v2  }
0x84: {  	v2 =	vld.msk [tilespmem:s17+$0x18], $0xff;
	[tilespmem:s18+$0xFFFFFFFF ss:$0x81] =	vst.msk $0xff, v5  }
0x85: {  	s16 =	sshrl.u32 s28, $0x12;
	v61 =	vld.msk [tilespmem:s20+$0x18], $0xff;
	[tilespmem:s19+$0xFFFFFFFF ss:$0x81] =	vst.msk $0xff, v3  }
0x86: {  	s16 =	smul.u32 $0x18, s16;
	v62 =	vld.msk [tilespmem:s21+$0x18], $0xff;
	[tilespmem:s22+$0xFFFFFFFF ss:$0x81] =	vst.msk $0xff, v4  }
0x87: {  	[tilespmem:s13+$0x0 ss:$0x81] =	vst.msk $0xff, v0;
	s29 =	sand.u32 $0x7F, s11;
	s30 =	smul.u32 $0x7A180, s25;
	v63 =	vld.msk [tilespmem:s24+$0x18], $0xff  }
0x88: {  	s11 =	sor.u32 s29, s12;
	[tilespmem:s14+$0x0 ss:$0x81] =	vst.msk $0xff, v1;
	s31 =	ssub.s32 s25, s16  }
.Ltmp4:
0x89: {  	s11 =	ssub.s32 s11, s30;
	s12 =	sand.u32 $0xFFFF, s31;
	[tilespmem:s15+$0x0 ss:$0x81] =	vst.msk $0xff, v2;
	(pc) =	sbr.rel .LBB1_5-.Ltmp4, $4  }
0x8a: {  	s13 =	sshrl.u32 s11, $0x3;
	s12 =	smul.u32 $0xF430, s12;
	[tilespmem:s18+$0x0 ss:$0x81] =	vst.msk $0xff, v61  }
0x8b: {  	s13 =	sadd.s32 s3, s13;
	[tilespmem:s19+$0x0 ss:$0x81] =	vst.msk $0xff, v62  }
0x8c: {  	s11 =	sand.u32 $0x7, s11;
	s12 =	sadd.s32 s12, s13;
	[tilespmem:s22+$0x0 ss:$0x81] =	vst.msk $0xff, v63  }
0x8d: {  	[hbm4b:s12+s11] =	stream.linear.scatter [tilespmem:s23], [sflag:$0x2], $0x400, $0x20;
	[tilespmem:$0x1010] =	vst v63  }
.LBB1_6:
0x8e: {  	_ =	sfence.sel $0x180000  }
0x8f: {  	s2 =	simm.s32 $0x1;
	[bflag:$0x0] =	sbarrier.arrive $0xFFFF  }
0x90: {  	s31 =	simm.s32 $0x2;
	[sflag:s2] =	ssyncpa.u1 $0x1  }
0x91: {  	[sflag:s31] =	ssyncpa.u1 $0x1  }
0x92: {  	p0 =	sne.s32 s0, $0x0;
	_ =	strace $0x90000047  }
0x93: {  	s0 =	sadd.s32 @!p0 $0x100000, s1;
	[bflag:$0x2] =	sbarrier.arrive $0xFFFF  }
0x94: {  	[sflag:s0] =	ssyncadd.tile.s32 @!p0 $0x1;
	_ =	shalt  }
.Lfunc_end1:
_tile_overlayer_lowered:
.L_overlay_start_2:
0x95: {  	(tag) =	ssettag $0x2  }
0x96: {  	s0 =	rddreg [dreg:$0x0];
	s2 =	stileid.u32  }
0x97: {  	s1 =	rddreg [dreg:$0x1];
	p0 =	sne.s32 s2, $0x0  }
0x98: {  	s3 =	rddreg [dreg:$0x2];
	[bflag:$0x3] =	sbarrier.arrive $0xFFFF;
	s2 =	simm.s32 @!p0 $0x1C01  }
0x99: {  	[timem:s3], [sflag:s2] =	dma.local @!p0 [hbm:s0], s1  }
0x9a: {  	s0 =	simm.s32 @!p0 $0x1  }
0x9b: {  	_ =	swait.ge @!p0 [sflag:s0], s1  }
0x9c: {  	s1 =	ssub.s32 @!p0 $0x0, s1;
	[sflag:s0] =	ssyncset.done @!p0 $0x0  }
0x9d: {  	[sflag:s0] =	ssyncadd.s32 @!p0 s1  }
0x9e: {  	[bflag:$0x3] =	sbarrier.arrive $0xFFFF  }
0x9f: {  	_ =	shalt  }

</sc_bundles>
